<compile_context>
chip_gen: v7x
topology: tpu7x:2x2x1
jax: 0.10.2.dev20260603
libtpu: 0.0.44.dev20260713+nightly
codegen_flags: <defaults>
</compile_context>

<pallas_src>
import jax
import jax.numpy as jnp
from jax import lax
from jax.experimental import pallas as pl
from jax.experimental.pallas import tpu as pltpu
from jax.experimental.pallas import tpu_sc as plsc

N_ATOMS = 50000
N_PAIRS = 1600000
FEAT = 48

NC = 2
NS = 16
ATOMS_PER_SC = N_ATOMS // NC
DUMMY0 = ATOMS_PER_SC
ACC_ROWS = 25500
PAIRS_PER_TILE = N_PAIRS // NS
CH = 400
NCHUNK = PAIRS_PER_TILE // CH
BB = 80
NB = CH // BB
ZR = 125
NZCOPY = ACC_ROWS // ZR
NDCOPY = ATOMS_PER_SC // ZR


def _sc_body(i_hbm, ix2_hbm, out_hbm, acc, ixbuf, idxbuf, zbuf, dsems, ssems):
    c = lax.axis_index("c")
    s = lax.axis_index("s")
    base_pair = s * PAIRS_PER_TILE
    atom_base = c * ATOMS_PER_SC
    lanes = lax.iota(jnp.int32, 16)

    def zero_row(r, _):
        z = jnp.zeros((16,), jnp.float32)
        zbuf[r, pl.ds(0, 16)] = z
        zbuf[r, pl.ds(16, 16)] = z
        zbuf[r, pl.ds(32, 16)] = z
        return _

    lax.fori_loop(0, ZR, zero_row, 0)

    nz = jnp.where(s < 12, 13, 12)

    def zcopy(t, _):
        cz = s + 16 * t
        pltpu.sync_copy(zbuf, acc.at[pl.ds(cz * ZR, ZR)])
        return _

    lax.fori_loop(0, nz, zcopy, 0)
    plsc.subcore_barrier()

    def start(g, k):
        p0 = base_pair + g * CH
        pltpu.async_copy(i_hbm.at[pl.ds(p0, CH)], idxbuf.at[k], dsems.at[k])

    def wait_data(k):
        pltpu.make_async_copy(i_hbm.at[pl.ds(0, CH)], idxbuf.at[k], dsems.at[k]).wait()

    start(0, 0)

    def chunk(g, _):
        k = lax.rem(g, 2)

        @pl.when(g + 1 < NCHUNK)
        def _prefetch():
            start(g + 1, 1 - k)

        wait_data(k)

        def remap(j, _):
            iv = idxbuf[k, pl.ds(16 * j, 16)]
            local = iv - atom_base
            ok = (local >= 0) & (local < ATOMS_PER_SC)
            dummy = DUMMY0 + ((16 * j + lanes) & 255)
            idxbuf[k, pl.ds(16 * j, 16)] = jnp.where(ok, local, dummy)
            return _

        lax.fori_loop(0, CH // 16, remap, 0)

        def scat(b, _):
            pltpu.async_copy(
                ixbuf.at[k, pl.ds(b * BB, BB)],
                acc.at[idxbuf.at[k, pl.ds(b * BB, BB)]],
                ssems.at[k],
                add=True,
            )
            return _

        lax.fori_loop(0, NB, scat, 0)

        def sdrain(b, _):
            pltpu.make_async_copy(
                ixbuf.at[k, pl.ds(b * BB, BB)],
                acc.at[pl.ds(0, BB)],
                ssems.at[k],
            ).wait()
            return _

        lax.fori_loop(0, NB, sdrain, 0)
        return _

    lax.fori_loop(0, NCHUNK, chunk, 0)
    plsc.subcore_barrier()

    nd = jnp.where(s < 8, 13, 12)

    def drain(t, _):
        cd = s + 16 * t
        pltpu.sync_copy(acc.at[pl.ds(cd * ZR, ZR)], zbuf)
        pltpu.sync_copy(zbuf, out_hbm.at[pl.ds(atom_base + cd * ZR, ZR)])
        return _

    lax.fori_loop(0, nd, drain, 0)


@jax.jit
def _scatter_add(i_idx, ix2):
    mesh = plsc.VectorSubcoreMesh(core_axis_name="c", subcore_axis_name="s")
    return pl.kernel(
        _sc_body,
        mesh=mesh,
        compiler_params=pltpu.CompilerParams(use_tc_tiling_on_sc=False),
        out_type=jax.ShapeDtypeStruct((N_ATOMS, FEAT), jnp.float32),
        scratch_types=[
            pltpu.VMEM_SHARED((ACC_ROWS, FEAT), jnp.float32),
            pltpu.VMEM((2, CH, FEAT), jnp.float32),
            pltpu.VMEM((2, CH), jnp.int32),
            pltpu.VMEM((ZR, FEAT), jnp.float32),
            pltpu.SemaphoreType.DMA((2,)),
            pltpu.SemaphoreType.DMA((2,)),
        ],
    )(i_idx, ix2)


def kernel(ind_2, px, ix):
    ix2 = jnp.pad(ix.reshape(N_PAIRS, FEAT), ((0, 0), (0, 128 - FEAT)))
    out = _scatter_add(ind_2[:, 0], ix2)
    return out.reshape(N_ATOMS, 16, 3)

# --- scband reference (transcript-rebuilt; emitter-appended) ---
"""Pipeline reference for scband-iplayer-eq-torch-22385369547191 (READ-ONLY COPY).

The authoritative reference and input builder live on the scoring server;
editing this copy changes nothing except your own understanding.
"""

import jax, jax.numpy as jnp
import numpy as np

N_ATOMS = 50000
N_PAIRS = 1600000
X = 16
R = 3

def setup_inputs(seed: int = 0) -> dict:
    key = jax.random.key(seed)
    k1, k2, k3 = jax.random.split(key, 3)
    ind_2 = jax.random.randint(k1, (N_PAIRS, 2), 0, N_ATOMS, dtype=jnp.int64 if jax.config.read('jax_enable_x64') else jnp.int32).astype(jnp.int32)
    px = jax.random.normal(k2, (N_ATOMS, X, R), dtype=jnp.float32)
    ix = jax.random.normal(k3, (N_PAIRS, X, R), dtype=jnp.float32)
    return {"ind_2": ind_2, "px": px, "ix": ix}

def reference(ind_2, px, ix):
    # Equivariant IP scatter-add over source atom index i = ind_2[:, 0]
    i = ind_2[:, 0]
    out = jnp.zeros_like(px)
    out = out.at[i].add(ix)
    return out

if __name__ == "__main__":
    import jax
    _d = setup_inputs()
    print(jax.jit(kernel)(*tuple(_d.values())))

</pallas_src>

<mosaic_0001>
#map = affine_map<(d0, d1) -> (0)>
#map1 = affine_map<(d0, d1) -> (0, 0)>
module attributes {stable_mosaic.version = 14 : i64} {
  func.func @_sc_body(%arg0: i32, %arg1: i32, %arg2: memref<1600000xi32, #tpu.memory_space<hbm>>, %arg3: memref<1600000x128xf32, #tpu.memory_space<hbm>>, %arg4: memref<50000x48xf32, #tpu.memory_space<hbm>>, %arg5: memref<25500x48xf32, #tpu.memory_space<vmem_shared>>, %arg6: memref<2x400x48xf32, #tpu.memory_space<vmem>>, %arg7: memref<2x400xi32, #tpu.memory_space<vmem>>, %arg8: memref<125x48xf32, #tpu.memory_space<vmem>>, %arg9: memref<2x!tpu.dma_semaphore, #tpu.memory_space<semaphore_mem>>, %arg10: memref<2x!tpu.dma_semaphore, #tpu.memory_space<semaphore_mem>>) attributes {dimension_semantics = [#tpu.dimension_semantics<core_parallel>, #tpu.dimension_semantics<subcore_parallel>], iteration_bounds = array<i64: 2, 16>, scalar_prefetch = 0 : i64, scratch_operands = 6 : i64, tpu.core_type = #tpu.core_type<sc_vector_subcore>, window_params = [{transform_indices = #map}, {transform_indices = #map1}, {transform_indices = #map1}]} {
    %mul3A = arith.constant 100000 : i32
    %mul3A_0 = arith.muli %arg1, %mul3A : i32
    %mul3A_1 = arith.constant 25000 : i32
    %mul3A_2 = arith.muli %arg0, %mul3A_1 : i32
    %iota3A = tpu.iota {dimensions = array<i32: 0>} : vector<16xi32>
    %scan3A = arith.constant 0 : i32
    %scan3A_3 = arith.constant 0 : i32
    %scan3A_4 = arith.constant 125 : i32
    %scan3A_5 = arith.addi %scan3A_3, %scan3A_4 : i32
    %scan3A_6 = arith.constant 1 : i32
    scf.for %scan3A_53 = %scan3A_3 to %scan3A_5 step %scan3A_6  : i32 {
      %broadcast_in_dim3A = arith.constant 0.000000e+00 : f32
      %broadcast_in_dim3A_54 = vector.broadcast %broadcast_in_dim3A : f32 to vector<16xf32>
      %swap3A = arith.index_cast %scan3A_53 : i32 to index
      %swap3A_55 = arith.constant 0 : index
      %swap3A_56 = tpu.vector_load %arg8[%swap3A, %swap3A_55] {strides = array<i32>} : memref<125x48xf32, #tpu.memory_space<vmem>>, vector<1x16xf32>,
      %swap3A_57 = vector.shape_cast %swap3A_56 : vector<1x16xf32> to vector<16xf32>
      %swap3A_58 = vector.shape_cast %broadcast_in_dim3A_54 : vector<16xf32> to vector<1x16xf32>
      tpu.vector_store %arg8[%swap3A, %swap3A_55], %swap3A_58 {strides = array<i32>} : memref<125x48xf32, #tpu.memory_space<vmem>>, vector<1x16xf32>,
      %swap3A_59 = arith.index_cast %scan3A_53 : i32 to index
      %swap3A_60 = arith.constant 16 : index
      %swap3A_61 = tpu.vector_load %arg8[%swap3A_59, %swap3A_60] {strides = array<i32>} : memref<125x48xf32, #tpu.memory_space<vmem>>, vector<1x16xf32>,
      %swap3A_62 = vector.shape_cast %swap3A_61 : vector<1x16xf32> to vector<16xf32>
      %swap3A_63 = vector.shape_cast %broadcast_in_dim3A_54 : vector<16xf32> to vector<1x16xf32>
      tpu.vector_store %arg8[%swap3A_59, %swap3A_60], %swap3A_63 {strides = array<i32>} : memref<125x48xf32, #tpu.memory_space<vmem>>, vector<1x16xf32>,
      %swap3A_64 = arith.index_cast %scan3A_53 : i32 to index
      %swap3A_65 = arith.constant 32 : index
      %swap3A_66 = tpu.vector_load %arg8[%swap3A_64, %swap3A_65] {strides = array<i32>} : memref<125x48xf32, #tpu.memory_space<vmem>>, vector<1x16xf32>,
      %swap3A_67 = vector.shape_cast %swap3A_66 : vector<1x16xf32> to vector<16xf32>
      %swap3A_68 = vector.shape_cast %broadcast_in_dim3A_54 : vector<16xf32> to vector<1x16xf32>
      tpu.vector_store %arg8[%swap3A_64, %swap3A_65], %swap3A_68 {strides = array<i32>} : memref<125x48xf32, #tpu.memory_space<vmem>>, vector<1x16xf32>,
    }
    %scan3A_7 = arith.constant 125 : i32
    %lt3A = arith.constant 12 : i32
    %lt3A_8 = arith.cmpi slt, %arg1, %lt3A : i32
    %jit3A = arith.constant 13 : i32
    %jit3A_9 = arith.constant 12 : i32
    %select_n3A = arith.select %lt3A_8, %jit3A, %jit3A_9 : i32
    %while3A = arith.constant 0 : i32
    %while3A_10 = arith.constant 0 : i32
    %while3A_11 = arith.subi %select_n3A, %while3A_10 : i32
    %while3A_12 = arith.addi %while3A_10, %while3A_11 : i32
    %while3A_13 = arith.constant 1 : i32
    %while3A_14 = arith.divsi %while3A_11, %while3A_13 : i32
    %while3A_15 = arith.muli %while3A_14, %while3A_13 : i32
    %while3A_16 = arith.addi %while3A_10, %while3A_15 : i32
    %while3A_17 = arith.constant 1 : i32
    scf.for %while3A_53 = %while3A_10 to %while3A_16 step %while3A_17  : i32 {
      %mul3A_54 = arith.constant 16 : i32
      %mul3A_55 = arith.muli %mul3A_54, %while3A_53 : i32
      %add3A_56 = arith.addi %arg1, %mul3A_55 : i32
      %mul3A_57 = arith.constant 125 : i32
      %mul3A_58 = arith.muli %add3A_56, %mul3A_57 : i32
      "tpu.region"() ({
        %run_scoped3A = tpu.sem_alloc : memref<!tpu.dma_semaphore, #tpu.memory_space<semaphore_mem>>
        %dma_start3A_59 = arith.constant 0 : i32
        %dma_start3A_60 = tpu.memref_slice %arg5[%mul3A_58, %dma_start3A_59] : memref<25500x48xf32, #tpu.memory_space<vmem_shared>> -> memref<125x48xf32, #tpu.memory_space<vmem_shared>>
        %dma_start3A_61 = arith.constant 0 : i32
        %dma_start3A_62 = tpu.memref_slice %arg5[%mul3A_58, %dma_start3A_61] : memref<25500x48xf32, #tpu.memory_space<vmem_shared>> -> memref<125x48xf32, #tpu.memory_space<vmem_shared>>
        tpu.enqueue_dma source(%arg8 : memref<125x48xf32, #tpu.memory_space<vmem>>) target(%dma_start3A_62 : memref<125x48xf32, #tpu.memory_space<vmem_shared>>) target_semaphore(%run_scoped3A : memref<!tpu.dma_semaphore, #tpu.memory_space<semaphore_mem>>)
        %dma_wait3A = arith.constant 0 : i32
        %dma_wait3A_63 = tpu.memref_slice %arg5[%mul3A_58, %dma_wait3A] : memref<25500x48xf32, #tpu.memory_space<vmem_shared>> -> memref<125x48xf32, #tpu.memory_space<vmem_shared>>
        %dma_wait3A_64 = arith.constant 0 : i32
        %dma_wait3A_65 = tpu.memref_slice %arg5[%mul3A_58, %dma_wait3A_64] : memref<25500x48xf32, #tpu.memory_space<vmem_shared>> -> memref<125x48xf32, #tpu.memory_space<vmem_shared>>
        tpu.wait_dma2 semaphore(%run_scoped3A : memref<!tpu.dma_semaphore, #tpu.memory_space<semaphore_mem>>) src(%arg8 : memref<125x48xf32, #tpu.memory_space<vmem>>) dst(%dma_wait3A_65 : memref<125x48xf32, #tpu.memory_space<vmem_shared>>)
        tpu.yield
      }) : () -> ()
    }
    %while3A_18 = arith.constant 1 : i32
    scf.for %while3A_53 = %while3A_16 to %while3A_12 step %while3A_18  : i32 {
      %mul3A_54 = arith.constant 16 : i32
      %mul3A_55 = arith.muli %mul3A_54, %while3A_53 : i32
      %add3A_56 = arith.addi %arg1, %mul3A_55 : i32
      %mul3A_57 = arith.constant 125 : i32
      %mul3A_58 = arith.muli %add3A_56, %mul3A_57 : i32
      "tpu.region"() ({
        %run_scoped3A = tpu.sem_alloc : memref<!tpu.dma_semaphore, #tpu.memory_space<semaphore_mem>>
        %dma_start3A_59 = arith.constant 0 : i32
        %dma_start3A_60 = tpu.memref_slice %arg5[%mul3A_58, %dma_start3A_59] : memref<25500x48xf32, #tpu.memory_space<vmem_shared>> -> memref<125x48xf32, #tpu.memory_space<vmem_shared>>
        %dma_start3A_61 = arith.constant 0 : i32
        %dma_start3A_62 = tpu.memref_slice %arg5[%mul3A_58, %dma_start3A_61] : memref<25500x48xf32, #tpu.memory_space<vmem_shared>> -> memref<125x48xf32, #tpu.memory_space<vmem_shared>>
        tpu.enqueue_dma source(%arg8 : memref<125x48xf32, #tpu.memory_space<vmem>>) target(%dma_start3A_62 : memref<125x48xf32, #tpu.memory_space<vmem_shared>>) target_semaphore(%run_scoped3A : memref<!tpu.dma_semaphore, #tpu.memory_space<semaphore_mem>>)
        %dma_wait3A = arith.constant 0 : i32
        %dma_wait3A_63 = tpu.memref_slice %arg5[%mul3A_58, %dma_wait3A] : memref<25500x48xf32, #tpu.memory_space<vmem_shared>> -> memref<125x48xf32, #tpu.memory_space<vmem_shared>>
        %dma_wait3A_64 = arith.constant 0 : i32
        %dma_wait3A_65 = tpu.memref_slice %arg5[%mul3A_58, %dma_wait3A_64] : memref<25500x48xf32, #tpu.memory_space<vmem_shared>> -> memref<125x48xf32, #tpu.memory_space<vmem_shared>>
        tpu.wait_dma2 semaphore(%run_scoped3A : memref<!tpu.dma_semaphore, #tpu.memory_space<semaphore_mem>>) src(%arg8 : memref<125x48xf32, #tpu.memory_space<vmem>>) dst(%dma_wait3A_65 : memref<125x48xf32, #tpu.memory_space<vmem_shared>>)
        tpu.yield
      }) : () -> ()
    }
    %barrier3A = arith.constant 0 : index
    tpu.barrier barrier_id(%barrier3A)
    %add3A = arith.constant 0 : i32
    %add3A_19 = arith.addi %mul3A_0, %add3A : i32
    %dma_start3A = arith.constant 0 : i32
    %dma_start3A_20 = arith.constant 0 : i32
    %dma_start3A_21 = arith.constant 0 : i32
    %dma_start3A_22 = tpu.memref_slice %arg7[%dma_start3A, %dma_start3A_21] : memref<2x400xi32, #tpu.memory_space<vmem>> -> memref<1x400xi32, #tpu.memory_space<vmem>>
    %dma_start3A_23 = tpu.memref_squeeze %dma_start3A_22 : memref<1x400xi32, #tpu.memory_space<vmem>> -> memref<400xi32, #tpu.memory_space<vmem>>
    %dma_start3A_24 = tpu.memref_slice %arg2[%add3A_19] : memref<1600000xi32, #tpu.memory_space<hbm>> -> memref<400xi32, #tpu.memory_space<hbm>>
    %dma_start3A_25 = tpu.memref_slice %arg9[%dma_start3A_20] : memref<2x!tpu.dma_semaphore, #tpu.memory_space<semaphore_mem>> -> memref<1x!tpu.dma_semaphore, #tpu.memory_space<semaphore_mem>>
    %dma_start3A_26 = tpu.memref_squeeze %dma_start3A_25 : memref<1x!tpu.dma_semaphore, #tpu.memory_space<semaphore_mem>> -> memref<!tpu.dma_semaphore, #tpu.memory_space<semaphore_mem>>
    %dma_start3A_27 = arith.constant 0 : i32
    %dma_start3A_28 = tpu.memref_slice %arg7[%dma_start3A, %dma_start3A_27] : memref<2x400xi32, #tpu.memory_space<vmem>> -> memref<1x400xi32, #tpu.memory_space<vmem>>
    %dma_start3A_29 = tpu.memref_squeeze %dma_start3A_28 : memref<1x400xi32, #tpu.memory_space<vmem>> -> memref<400xi32, #tpu.memory_space<vmem>>
    %dma_start3A_30 = tpu.memref_slice %arg2[%add3A_19] : memref<1600000xi32, #tpu.memory_space<hbm>> -> memref<400xi32, #tpu.memory_space<hbm>>
    tpu.enqueue_dma source(%dma_start3A_30 : memref<400xi32, #tpu.memory_space<hbm>>) target(%dma_start3A_29 : memref<400xi32, #tpu.memory_space<vmem>>) target_semaphore(%dma_start3A_26 : memref<!tpu.dma_semaphore, #tpu.memory_space<semaphore_mem>>)
    %scan3A_31 = arith.constant 0 : i32
    %scan3A_32 = arith.constant 0 : i32
    %scan3A_33 = arith.constant 250 : i32
    %scan3A_34 = arith.addi %scan3A_32, %scan3A_33 : i32
    %scan3A_35 = arith.constant 1 : i32
    scf.for %scan3A_53 = %scan3A_32 to %scan3A_34 step %scan3A_35  : i32 {
      %rem3A = arith.constant 2 : i32
      %rem3A_54 = arith.remsi %scan3A_53, %rem3A : i32
      %add3A_55 = arith.constant 1 : i32
      %add3A_56 = arith.addi %scan3A_53, %add3A_55 : i32
      %lt3A_57 = arith.constant 250 : i32
      %lt3A_58 = arith.cmpi slt, %add3A_56, %lt3A_57 : i32
      %convert_element_type3A = arith.extui %lt3A_58 : i1 to i32
      %cond3A = arith.constant 0 : i32
      %cond3A_59 = arith.cmpi ne, %convert_element_type3A, %cond3A : i32
      scf.if %cond3A_59 {
        %add3A_89 = arith.constant 1 : i32
        %add3A_90 = arith.addi %scan3A_53, %add3A_89 : i32
        %sub3A = arith.constant 1 : i32
        %sub3A_91 = arith.subi %sub3A, %rem3A_54 : i32
        %mul3A_92 = arith.constant 400 : i32
        %mul3A_93 = arith.muli %add3A_90, %mul3A_92 : i32
        %add3A_94 = arith.addi %mul3A_0, %mul3A_93 : i32
        %dma_start3A_95 = arith.constant 0 : i32
        %dma_start3A_96 = tpu.memref_slice %arg7[%sub3A_91, %dma_start3A_95] : memref<2x400xi32, #tpu.memory_space<vmem>> -> memref<1x400xi32, #tpu.memory_space<vmem>>
        %dma_start3A_97 = tpu.memref_squeeze %dma_start3A_96 : memref<1x400xi32, #tpu.memory_space<vmem>> -> memref<400xi32, #tpu.memory_space<vmem>>
        %dma_start3A_98 = tpu.memref_slice %arg2[%add3A_94] : memref<1600000xi32, #tpu.memory_space<hbm>> -> memref<400xi32, #tpu.memory_space<hbm>>
        %dma_start3A_99 = tpu.memref_slice %arg9[%sub3A_91] : memref<2x!tpu.dma_semaphore, #tpu.memory_space<semaphore_mem>> -> memref<1x!tpu.dma_semaphore, #tpu.memory_space<semaphore_mem>>
        %dma_start3A_100 = tpu.memref_squeeze %dma_start3A_99 : memref<1x!tpu.dma_semaphore, #tpu.memory_space<semaphore_mem>> -> memref<!tpu.dma_semaphore, #tpu.memory_space<semaphore_mem>>
        %dma_start3A_101 = arith.constant 0 : i32
        %dma_start3A_102 = tpu.memref_slice %arg7[%sub3A_91, %dma_start3A_101] : memref<2x400xi32, #tpu.memory_space<vmem>> -> memref<1x400xi32, #tpu.memory_space<vmem>>
        %dma_start3A_103 = tpu.memref_squeeze %dma_start3A_102 : memref<1x400xi32, #tpu.memory_space<vmem>> -> memref<400xi32, #tpu.memory_space<vmem>>
        %dma_start3A_104 = tpu.memref_slice %arg2[%add3A_94] : memref<1600000xi32, #tpu.memory_space<hbm>> -> memref<400xi32, #tpu.memory_space<hbm>>
        tpu.enqueue_dma source(%dma_start3A_104 : memref<400xi32, #tpu.memory_space<hbm>>) target(%dma_start3A_103 : memref<400xi32, #tpu.memory_space<vmem>>) target_semaphore(%dma_start3A_100 : memref<!tpu.dma_semaphore, #tpu.memory_space<semaphore_mem>>)
      } else {
      }
      %dma_wait3A = arith.constant 0 : i32
      %dma_wait3A_60 = tpu.memref_slice %arg7[%rem3A_54, %dma_wait3A] : memref<2x400xi32, #tpu.memory_space<vmem>> -> memref<1x400xi32, #tpu.memory_space<vmem>>
      %dma_wait3A_61 = tpu.memref_squeeze %dma_wait3A_60 : memref<1x400xi32, #tpu.memory_space<vmem>> -> memref<400xi32, #tpu.memory_space<vmem>>
      %dma_wait3A_62 = arith.constant 0 : i32
      %dma_wait3A_63 = tpu.memref_slice %arg2[%dma_wait3A_62] : memref<1600000xi32, #tpu.memory_space<hbm>> -> memref<400xi32, #tpu.memory_space<hbm>>
      %dma_wait3A_64 = tpu.memref_slice %arg9[%rem3A_54] : memref<2x!tpu.dma_semaphore, #tpu.memory_space<semaphore_mem>> -> memref<1x!tpu.dma_semaphore, #tpu.memory_space<semaphore_mem>>
      %dma_wait3A_65 = tpu.memref_squeeze %dma_wait3A_64 : memref<1x!tpu.dma_semaphore, #tpu.memory_space<semaphore_mem>> -> memref<!tpu.dma_semaphore, #tpu.memory_space<semaphore_mem>>
      %dma_wait3A_66 = arith.constant 0 : i32
      %dma_wait3A_67 = tpu.memref_slice %arg7[%rem3A_54, %dma_wait3A_66] : memref<2x400xi32, #tpu.memory_space<vmem>> -> memref<1x400xi32, #tpu.memory_space<vmem>>
      %dma_wait3A_68 = tpu.memref_squeeze %dma_wait3A_67 : memref<1x400xi32, #tpu.memory_space<vmem>> -> memref<400xi32, #tpu.memory_space<vmem>>
      %dma_wait3A_69 = arith.constant 0 : i32
      %dma_wait3A_70 = tpu.memref_slice %arg2[%dma_wait3A_69] : memref<1600000xi32, #tpu.memory_space<hbm>> -> memref<400xi32, #tpu.memory_space<hbm>>
      tpu.wait_dma2 semaphore(%dma_wait3A_65 : memref<!tpu.dma_semaphore, #tpu.memory_space<semaphore_mem>>) src(%dma_wait3A_70 : memref<400xi32, #tpu.memory_space<hbm>>) dst(%dma_wait3A_68 : memref<400xi32, #tpu.memory_space<vmem>>)
      %scan3A_71 = arith.constant 0 : i32
      %scan3A_72 = arith.constant 0 : i32
      %scan3A_73 = arith.constant 25 : i32
      %scan3A_74 = arith.addi %scan3A_72, %scan3A_73 : i32
      %scan3A_75 = arith.constant 1 : i32
      scf.for %scan3A_89 = %scan3A_72 to %scan3A_74 step %scan3A_75  : i32 {
        %mul3A_90 = arith.constant 16 : i32
        %mul3A_91 = arith.muli %mul3A_90, %scan3A_89 : i32
        %get3A = arith.index_cast %rem3A_54 : i32 to index
        %get3A_92 = arith.index_cast %mul3A_91 : i32 to index
        %get3A_93 = tpu.vector_load %arg7[%get3A, %get3A_92] {strides = array<i32>} : memref<2x400xi32, #tpu.memory_space<vmem>>, vector<1x16xi32>,
        %get3A_94 = vector.shape_cast %get3A_93 : vector<1x16xi32> to vector<16xi32>
        %sub3A = vector.broadcast %mul3A_2 : i32 to vector<16xi32>
        %sub3A_95 = arith.subi %get3A_94, %sub3A : vector<16xi32>
        %ge3A = arith.constant 0 : i32
        %ge3A_96 = vector.broadcast %ge3A : i32 to vector<16xi32>
        %ge3A_97 = arith.cmpi sge, %sub3A_95, %ge3A_96 : vector<16xi32>
        %lt3A_98 = arith.constant 25000 : i32
        %lt3A_99 = vector.broadcast %lt3A_98 : i32 to vector<16xi32>
        %lt3A_100 = arith.cmpi slt, %sub3A_95, %lt3A_99 : vector<16xi32>
        %and3A = arith.andi %ge3A_97, %lt3A_100 : vector<16xi1>
        %mul3A_101 = arith.constant 16 : i32
        %mul3A_102 = arith.muli %mul3A_101, %scan3A_89 : i32
        %add3A_103 = vector.broadcast %mul3A_102 : i32 to vector<16xi32>
        %add3A_104 = arith.addi %add3A_103, %iota3A : vector<16xi32>
        %and3A_105 = arith.constant 255 : i32
        %and3A_106 = vector.broadcast %and3A_105 : i32 to vector<16xi32>
        %and3A_107 = arith.andi %add3A_104, %and3A_106 : vector<16xi32>
        %add3A_108 = arith.constant 25000 : i32
        %add3A_109 = vector.broadcast %add3A_108 : i32 to vector<16xi32>
        %add3A_110 = arith.addi %add3A_109, %and3A_107 : vector<16xi32>
        %select_n3A_111 = arith.select %and3A, %sub3A_95, %add3A_110 : vector<16xi1>, vector<16xi32>
        %mul3A_112 = arith.constant 16 : i32
        %mul3A_113 = arith.muli %mul3A_112, %scan3A_89 : i32
        %swap3A = arith.index_cast %rem3A_54 : i32 to index
        %swap3A_114 = arith.index_cast %mul3A_113 : i32 to index
        %swap3A_115 = tpu.vector_load %arg7[%swap3A, %swap3A_114] {strides = array<i32>} : memref<2x400xi32, #tpu.memory_space<vmem>>, vector<1x16xi32>,
        %swap3A_116 = vector.shape_cast %swap3A_115 : vector<1x16xi32> to vector<16xi32>
        %swap3A_117 = vector.shape_cast %select_n3A_111 : vector<16xi32> to vector<1x16xi32>
        tpu.vector_store %arg7[%swap3A, %swap3A_114], %swap3A_117 {strides = array<i32>} : memref<2x400xi32, #tpu.memory_space<vmem>>, vector<1x16xi32>,
      }
      %scan3A_76 = arith.constant 25 : i32
      %scan3A_77 = arith.constant 0 : i32
      %scan3A_78 = arith.constant 0 : i32
      %scan3A_79 = arith.constant 5 : i32
      %scan3A_80 = arith.addi %scan3A_78, %scan3A_79 : i32
      %scan3A_81 = arith.constant 1 : i32
      scf.for %scan3A_89 = %scan3A_78 to %scan3A_80 step %scan3A_81  : i32 {
        %mul3A_90 = arith.constant 80 : i32
        %mul3A_91 = arith.muli %scan3A_89, %mul3A_90 : i32
        %mul3A_92 = arith.constant 80 : i32
        %mul3A_93 = arith.muli %scan3A_89, %mul3A_92 : i32
        %dma_start3A_94 = arith.constant 0 : i32
        %dma_start3A_95 = tpu.memref_slice %arg6[%rem3A_54, %mul3A_91, %dma_start3A_94] : memref<2x400x48xf32, #tpu.memory_space<vmem>> -> memref<1x80x48xf32, #tpu.memory_space<vmem>>
        %dma_start3A_96 = tpu.memref_squeeze %dma_start3A_95 : memref<1x80x48xf32, #tpu.memory_space<vmem>> -> memref<80x48xf32, #tpu.memory_space<vmem>>
        %dma_start3A_97 = tpu.memref_slice %arg7[%rem3A_54, %mul3A_93] : memref<2x400xi32, #tpu.memory_space<vmem>> -> memref<1x80xi32, #tpu.memory_space<vmem>>
        %dma_start3A_98 = tpu.memref_squeeze %dma_start3A_97 : memref<1x80xi32, #tpu.memory_space<vmem>> -> memref<80xi32, #tpu.memory_space<vmem>>
        %dma_start3A_99 = arith.constant 0 : i32
        %dma_start3A_100 = arith.constant 0 : i32
        %dma_start3A_101 = tpu.memref_slice %arg5[%dma_start3A_99, %dma_start3A_100] : memref<25500x48xf32, #tpu.memory_space<vmem_shared>> -> memref<25500x48xf32, #tpu.memory_space<vmem_shared>>
        %dma_start3A_102 = tpu.memref_slice %arg10[%rem3A_54] : memref<2x!tpu.dma_semaphore, #tpu.memory_space<semaphore_mem>> -> memref<1x!tpu.dma_semaphore, #tpu.memory_space<semaphore_mem>>
        %dma_start3A_103 = tpu.memref_squeeze %dma_start3A_102 : memref<1x!tpu.dma_semaphore, #tpu.memory_space<semaphore_mem>> -> memref<!tpu.dma_semaphore, #tpu.memory_space<semaphore_mem>>
        tpu.enqueue_indirect_dma source(%dma_start3A_96 : memref<80x48xf32, #tpu.memory_space<vmem>>) target(%dma_start3A_101 : memref<25500x48xf32, #tpu.memory_space<vmem_shared>>) offsets(%dma_start3A_98 : memref<80xi32, #tpu.memory_space<vmem>>) semaphore(%dma_start3A_103 : memref<!tpu.dma_semaphore, #tpu.memory_space<semaphore_mem>>) {add = true}
      }
      %scan3A_82 = arith.constant 5 : i32
      %scan3A_83 = arith.constant 0 : i32
      %scan3A_84 = arith.constant 0 : i32
      %scan3A_85 = arith.constant 5 : i32
      %scan3A_86 = arith.addi %scan3A_84, %scan3A_85 : i32
      %scan3A_87 = arith.constant 1 : i32
      scf.for %scan3A_89 = %scan3A_84 to %scan3A_86 step %scan3A_87  : i32 {
        %mul3A_90 = arith.constant 80 : i32
        %mul3A_91 = arith.muli %scan3A_89, %mul3A_90 : i32
        %dma_wait3A_92 = arith.constant 0 : i32
        %dma_wait3A_93 = tpu.memref_slice %arg6[%rem3A_54, %mul3A_91, %dma_wait3A_92] : memref<2x400x48xf32, #tpu.memory_space<vmem>> -> memref<1x80x48xf32, #tpu.memory_space<vmem>>
        %dma_wait3A_94 = tpu.memref_squeeze %dma_wait3A_93 : memref<1x80x48xf32, #tpu.memory_space<vmem>> -> memref<80x48xf32, #tpu.memory_space<vmem>>
        %dma_wait3A_95 = arith.constant 0 : i32
        %dma_wait3A_96 = arith.constant 0 : i32
        %dma_wait3A_97 = tpu.memref_slice %arg5[%dma_wait3A_95, %dma_wait3A_96] : memref<25500x48xf32, #tpu.memory_space<vmem_shared>> -> memref<80x48xf32, #tpu.memory_space<vmem_shared>>
        %dma_wait3A_98 = tpu.memref_slice %arg10[%rem3A_54] : memref<2x!tpu.dma_semaphore, #tpu.memory_space<semaphore_mem>> -> memref<1x!tpu.dma_semaphore, #tpu.memory_space<semaphore_mem>>
        %dma_wait3A_99 = tpu.memref_squeeze %dma_wait3A_98 : memref<1x!tpu.dma_semaphore, #tpu.memory_space<semaphore_mem>> -> memref<!tpu.dma_semaphore, #tpu.memory_space<semaphore_mem>>
        %dma_wait3A_100 = arith.constant 0 : i32
        %dma_wait3A_101 = arith.constant 0 : i32
        %dma_wait3A_102 = tpu.memref_slice %arg5[%dma_wait3A_100, %dma_wait3A_101] : memref<25500x48xf32, #tpu.memory_space<vmem_shared>> -> memref<80x48xf32, #tpu.memory_space<vmem_shared>>
        %dma_wait3A_103 = arith.constant 0 : i32
        %dma_wait3A_104 = tpu.memref_slice %arg6[%rem3A_54, %mul3A_91, %dma_wait3A_103] : memref<2x400x48xf32, #tpu.memory_space<vmem>> -> memref<1x80x48xf32, #tpu.memory_space<vmem>>
        %dma_wait3A_105 = tpu.memref_squeeze %dma_wait3A_104 : memref<1x80x48xf32, #tpu.memory_space<vmem>> -> memref<80x48xf32, #tpu.memory_space<vmem>>
        tpu.wait_dma2 semaphore(%dma_wait3A_99 : memref<!tpu.dma_semaphore, #tpu.memory_space<semaphore_mem>>) src(%dma_wait3A_105 : memref<80x48xf32, #tpu.memory_space<vmem>>) dst(%dma_wait3A_102 : memref<80x48xf32, #tpu.memory_space<vmem_shared>>)
      }
      %scan3A_88 = arith.constant 5 : i32
    }
    %scan3A_36 = arith.constant 250 : i32
    %barrier3A_37 = arith.constant 0 : index
    tpu.barrier barrier_id(%barrier3A_37)
    %lt3A_38 = arith.constant 8 : i32
    %lt3A_39 = arith.cmpi slt, %arg1, %lt3A_38 : i32
    %jit3A_40 = arith.constant 13 : i32
    %jit3A_41 = arith.constant 12 : i32
    %select_n3A_42 = arith.select %lt3A_39, %jit3A_40, %jit3A_41 : i32
    %while3A_43 = arith.constant 0 : i32
    %while3A_44 = arith.constant 0 : i32
    %while3A_45 = arith.subi %select_n3A_42, %while3A_44 : i32
    %while3A_46 = arith.addi %while3A_44, %while3A_45 : i32
    %while3A_47 = arith.constant 1 : i32
    %while3A_48 = arith.divsi %while3A_45, %while3A_47 : i32
    %while3A_49 = arith.muli %while3A_48, %while3A_47 : i32
    %while3A_50 = arith.addi %while3A_44, %while3A_49 : i32
    %while3A_51 = arith.constant 1 : i32
    scf.for %while3A_53 = %while3A_44 to %while3A_50 step %while3A_51  : i32 {
      %mul3A_54 = arith.constant 16 : i32
      %mul3A_55 = arith.muli %mul3A_54, %while3A_53 : i32
      %add3A_56 = arith.addi %arg1, %mul3A_55 : i32
      %mul3A_57 = arith.constant 125 : i32
      %mul3A_58 = arith.muli %add3A_56, %mul3A_57 : i32
      "tpu.region"() ({
        %run_scoped3A = tpu.sem_alloc : memref<!tpu.dma_semaphore, #tpu.memory_space<semaphore_mem>>
        %dma_start3A_62 = arith.constant 0 : i32
        %dma_start3A_63 = tpu.memref_slice %arg5[%mul3A_58, %dma_start3A_62] : memref<25500x48xf32, #tpu.memory_space<vmem_shared>> -> memref<125x48xf32, #tpu.memory_space<vmem_shared>>
        %dma_start3A_64 = arith.constant 0 : i32
        %dma_start3A_65 = tpu.memref_slice %arg5[%mul3A_58, %dma_start3A_64] : memref<25500x48xf32, #tpu.memory_space<vmem_shared>> -> memref<125x48xf32, #tpu.memory_space<vmem_shared>>
        tpu.enqueue_dma source(%dma_start3A_65 : memref<125x48xf32, #tpu.memory_space<vmem_shared>>) target(%arg8 : memref<125x48xf32, #tpu.memory_space<vmem>>) target_semaphore(%run_scoped3A : memref<!tpu.dma_semaphore, #tpu.memory_space<semaphore_mem>>)
        %dma_wait3A = arith.constant 0 : i32
        %dma_wait3A_66 = tpu.memref_slice %arg5[%mul3A_58, %dma_wait3A] : memref<25500x48xf32, #tpu.memory_space<vmem_shared>> -> memref<125x48xf32, #tpu.memory_space<vmem_shared>>
        %dma_wait3A_67 = arith.constant 0 : i32
        %dma_wait3A_68 = tpu.memref_slice %arg5[%mul3A_58, %dma_wait3A_67] : memref<25500x48xf32, #tpu.memory_space<vmem_shared>> -> memref<125x48xf32, #tpu.memory_space<vmem_shared>>
        tpu.wait_dma2 semaphore(%run_scoped3A : memref<!tpu.dma_semaphore, #tpu.memory_space<semaphore_mem>>) src(%dma_wait3A_68 : memref<125x48xf32, #tpu.memory_space<vmem_shared>>) dst(%arg8 : memref<125x48xf32, #tpu.memory_space<vmem>>)
        tpu.yield
      }) : () -> ()
      %mul3A_59 = arith.constant 125 : i32
      %mul3A_60 = arith.muli %add3A_56, %mul3A_59 : i32
      %add3A_61 = arith.addi %mul3A_2, %mul3A_60 : i32
      "tpu.region"() ({
        %run_scoped3A = tpu.sem_alloc : memref<!tpu.dma_semaphore, #tpu.memory_space<semaphore_mem>>
        %dma_start3A_62 = arith.constant 0 : i32
        %dma_start3A_63 = tpu.memref_slice %arg4[%add3A_61, %dma_start3A_62] : memref<50000x48xf32, #tpu.memory_space<hbm>> -> memref<125x48xf32, #tpu.memory_space<hbm>>
        %dma_start3A_64 = arith.constant 0 : i32
        %dma_start3A_65 = tpu.memref_slice %arg4[%add3A_61, %dma_start3A_64] : memref<50000x48xf32, #tpu.memory_space<hbm>> -> memref<125x48xf32, #tpu.memory_space<hbm>>
        tpu.enqueue_dma source(%arg8 : memref<125x48xf32, #tpu.memory_space<vmem>>) target(%dma_start3A_65 : memref<125x48xf32, #tpu.memory_space<hbm>>) target_semaphore(%run_scoped3A : memref<!tpu.dma_semaphore, #tpu.memory_space<semaphore_mem>>)
        %dma_wait3A = arith.constant 0 : i32
        %dma_wait3A_66 = tpu.memref_slice %arg4[%add3A_61, %dma_wait3A] : memref<50000x48xf32, #tpu.memory_space<hbm>> -> memref<125x48xf32, #tpu.memory_space<hbm>>
        %dma_wait3A_67 = arith.constant 0 : i32
        %dma_wait3A_68 = tpu.memref_slice %arg4[%add3A_61, %dma_wait3A_67] : memref<50000x48xf32, #tpu.memory_space<hbm>> -> memref<125x48xf32, #tpu.memory_space<hbm>>
        tpu.wait_dma2 semaphore(%run_scoped3A : memref<!tpu.dma_semaphore, #tpu.memory_space<semaphore_mem>>) src(%arg8 : memref<125x48xf32, #tpu.memory_space<vmem>>) dst(%dma_wait3A_68 : memref<125x48xf32, #tpu.memory_space<hbm>>)
        tpu.yield
      }) : () -> ()
    }
    %while3A_52 = arith.constant 1 : i32
    scf.for %while3A_53 = %while3A_50 to %while3A_46 step %while3A_52  : i32 {
      %mul3A_54 = arith.constant 16 : i32
      %mul3A_55 = arith.muli %mul3A_54, %while3A_53 : i32
      %add3A_56 = arith.addi %arg1, %mul3A_55 : i32
      %mul3A_57 = arith.constant 125 : i32
      %mul3A_58 = arith.muli %add3A_56, %mul3A_57 : i32
      "tpu.region"() ({
        %run_scoped3A = tpu.sem_alloc : memref<!tpu.dma_semaphore, #tpu.memory_space<semaphore_mem>>
        %dma_start3A_62 = arith.constant 0 : i32
        %dma_start3A_63 = tpu.memref_slice %arg5[%mul3A_58, %dma_start3A_62] : memref<25500x48xf32, #tpu.memory_space<vmem_shared>> -> memref<125x48xf32, #tpu.memory_space<vmem_shared>>
        %dma_start3A_64 = arith.constant 0 : i32
        %dma_start3A_65 = tpu.memref_slice %arg5[%mul3A_58, %dma_start3A_64] : memref<25500x48xf32, #tpu.memory_space<vmem_shared>> -> memref<125x48xf32, #tpu.memory_space<vmem_shared>>
        tpu.enqueue_dma source(%dma_start3A_65 : memref<125x48xf32, #tpu.memory_space<vmem_shared>>) target(%arg8 : memref<125x48xf32, #tpu.memory_space<vmem>>) target_semaphore(%run_scoped3A : memref<!tpu.dma_semaphore, #tpu.memory_space<semaphore_mem>>)
        %dma_wait3A = arith.constant 0 : i32
        %dma_wait3A_66 = tpu.memref_slice %arg5[%mul3A_58, %dma_wait3A] : memref<25500x48xf32, #tpu.memory_space<vmem_shared>> -> memref<125x48xf32, #tpu.memory_space<vmem_shared>>
        %dma_wait3A_67 = arith.constant 0 : i32
        %dma_wait3A_68 = tpu.memref_slice %arg5[%mul3A_58, %dma_wait3A_67] : memref<25500x48xf32, #tpu.memory_space<vmem_shared>> -> memref<125x48xf32, #tpu.memory_space<vmem_shared>>
        tpu.wait_dma2 semaphore(%run_scoped3A : memref<!tpu.dma_semaphore, #tpu.memory_space<semaphore_mem>>) src(%dma_wait3A_68 : memref<125x48xf32, #tpu.memory_space<vmem_shared>>) dst(%arg8 : memref<125x48xf32, #tpu.memory_space<vmem>>)
        tpu.yield
      }) : () -> ()
      %mul3A_59 = arith.constant 125 : i32
      %mul3A_60 = arith.muli %add3A_56, %mul3A_59 : i32
      %add3A_61 = arith.addi %mul3A_2, %mul3A_60 : i32
      "tpu.region"() ({
        %run_scoped3A = tpu.sem_alloc : memref<!tpu.dma_semaphore, #tpu.memory_space<semaphore_mem>>
        %dma_start3A_62 = arith.constant 0 : i32
        %dma_start3A_63 = tpu.memref_slice %arg4[%add3A_61, %dma_start3A_62] : memref<50000x48xf32, #tpu.memory_space<hbm>> -> memref<125x48xf32, #tpu.memory_space<hbm>>
        %dma_start3A_64 = arith.constant 0 : i32
        %dma_start3A_65 = tpu.memref_slice %arg4[%add3A_61, %dma_start3A_64] : memref<50000x48xf32, #tpu.memory_space<hbm>> -> memref<125x48xf32, #tpu.memory_space<hbm>>
        tpu.enqueue_dma source(%arg8 : memref<125x48xf32, #tpu.memory_space<vmem>>) target(%dma_start3A_65 : memref<125x48xf32, #tpu.memory_space<hbm>>) target_semaphore(%run_scoped3A : memref<!tpu.dma_semaphore, #tpu.memory_space<semaphore_mem>>)
        %dma_wait3A = arith.constant 0 : i32
        %dma_wait3A_66 = tpu.memref_slice %arg4[%add3A_61, %dma_wait3A] : memref<50000x48xf32, #tpu.memory_space<hbm>> -> memref<125x48xf32, #tpu.memory_space<hbm>>
        %dma_wait3A_67 = arith.constant 0 : i32
        %dma_wait3A_68 = tpu.memref_slice %arg4[%add3A_61, %dma_wait3A_67] : memref<50000x48xf32, #tpu.memory_space<hbm>> -> memref<125x48xf32, #tpu.memory_space<hbm>>
        tpu.wait_dma2 semaphore(%run_scoped3A : memref<!tpu.dma_semaphore, #tpu.memory_space<semaphore_mem>>) src(%arg8 : memref<125x48xf32, #tpu.memory_space<vmem>>) dst(%dma_wait3A_68 : memref<125x48xf32, #tpu.memory_space<hbm>>)
        tpu.yield
      }) : () -> ()
    }
    return
  }
}

</mosaic_0001>

<sc_bundles>
// kernel: _scatter_add.3.cloned.1.call-start
scs
__scs_entry_jumppad:
0x0: {  	(pc) =	sbr.rel $0x88, $3  }
0x1: {  	(tag) =	ssettag $0x0;
	lr =	simm.s32 $0x1  }
0x2: {  	[smem:$0x3F9F] =	sst lr;
	_ =	strace $0xD0000000  }
0x3: {  	_ = 	snop  }
0x4: {  	_ = 	snop  }
0x5: {  	_ = 	snop  }
0x6: {  	_ = 	snop  }
0x7: {  	_ = 	snop  }
__scs_overlays_trampoline_lowered:
0x8: {  	[smem:$0x3FAE] =	sst s0  }
0x9: {  	[smem:$0x3FAF] =	sst s1  }
0xa: {  	[smem:$0x3FB0] =	sst s2  }
0xb: {  	[smem:$0x3FB1] =	sst s3  }
0xc: {  	[smem:$0x3FB2] =	sst s4  }
0xd: {  	[smem:$0x3FB3] =	sst s5  }
0xe: {  	[smem:$0x3FB4] =	sst s6  }
0xf: {  	[smem:$0x3FB5] =	sst s7  }
0x10: {  	[smem:$0x3FB6] =	sst s8  }
0x11: {  	[smem:$0x3FB7] =	sst s9;
	s0 =	simm.s32 @!p0 $0x0  }
0x12: {  	s1 =	sld [smem:$0x3F9D];
	s0 =	simm.s32 @p0 $0x1  }
0x13: {  	[smem:$0x3FB8] =	sst s0;
	s0 =	simm.s32 @!p1 $0x0  }
0x14: {  	s2 =	sld [smem:$0x3F9C];
	s0 =	simm.s32 @p1 $0x1  }
0x15: {  	[smem:$0x3FB9] =	sst s0;
	s0 =	simm.s32 @!p2 $0x0  }
0x16: {  	s3 =	sld [smem:$0x3FDB];
	s0 =	simm.s32 @p2 $0x1  }
0x17: {  	s4 =	simm.s32 $0x1BF5;
	[smem:$0x3FBB] =	sst s0  }
0x18: {  	s0 =	sld [smem:$0x3F9E];
	_ =	swait.ge [sflag:s4], $0x0  }
0x19: {  	s7 =	sld [smem:$0x3F9F]  }
0x1a: {  	s8 =	sadd.s32 $0xFFFFE003, lr  }
0x1b: {  	s9 =	sadd.s32 $0xFFFFFEF7, lr;
	s5 =	simm.s32 $0xFFFFFFFF;
	p2 =	slt.u32 s8, $0xFFFFF086  }
0x1c: {  	p1 =	slt.u32 s9, $0xF7A;
	s5 =	simm.s32 @!p2 $0x0  }
0x1d: {  	s5 =	simm.s32 @p1 $0x1;
	p0 =	seq.s32 s7, s2  }
0x1e: {  	s7 =	smul.u32 @!p0 $0xF7A, s2;
	p2 =	seq.s32 @!p0 s5, $0x0  }
0x1f: {  	s9 =	smul.u32 $0xF7A, s1;
	s8 =	simm.s32 @!p0 $0x1BF5;
	p2 =	por !p2, p0  }
0x20: {  	[sflag:s8] =	ssyncset.s32 @!p0 $0xFFFFF086;
	s6 =	sadd.s32 @!p0 s3, s7;
	s7 =	simm.s32 @!p0 $0x108  }
0x21: {  	s3 =	sadd.s32 s3, s9;
	s6 =	sadd.s32 @!p0 $0x88, s6;
	s7 =	simm.s32 @p2 $0x1082  }
0x22: {  	[simem:s7], [sflag:s8] =	dma.local @!p0 [hbm:s6], $0xF7A  }
0x23: {  	s9 =	sor.u32 $0xD0000000, s2;
	s6 =	simm.s32 $0x108;
	_ =	swait.ge @!p0 [sflag:s8], $0x0  }
0x24: {  	s3 =	sadd.s32 $0x88, s3;
	s6 =	simm.s32 @!p1 $0x1082;
	[sflag:s4] =	ssyncset.s32 $0xFFFFF086  }
0x25: {  	[simem:s6], [sflag:s4] =	dma.local [hbm:s3], $0xF7A  }
0x26: {  	[smem:$0x3F9F] =	sst s1;
	(tag) =	ssettag s2;
	_ =	strace s9  }
0x27: {  	s1 =	sld [smem:$0x3FAF]  }
0x28: {  	s2 =	sld [smem:$0x3FB0]  }
0x29: {  	s4 =	sld [smem:$0x3FB2]  }
0x2a: {  	p0 =	seq.s32 s5, $0x0;
	s5 =	sld [smem:$0x3FB3]  }
0x2b: {  	s6 =	sld [smem:$0x3FB4]  }
0x2c: {  	s7 =	sld [smem:$0x3FB5]  }
0x2d: {  	s3 =	simm.s32 $0x108;
	s8 =	sld [smem:$0x3FB6]  }
0x2e: {  	s3 =	simm.s32 @!p0 $0x1082;
	s9 =	sld [smem:$0x3FB7]  }
0x2f: {  	lr =	sadd.s32 s0, s3;
	s0 =	sld [smem:$0x3FAE]  }
0x30: {  	s3 =	sld [smem:$0x3FB1]  }
0x31: {  	[smem:$0x3FBA] =	sst s10  }
0x32: {  	s10 =	sld [smem:$0x3FB8];
	_ =	sdelay $0x3  }
0x33: {  	p0 =	seq.s32 s10, $0x1;
	s10 =	sld [smem:$0x3FBA];
	_ =	sdelay $0x3  }
0x34: {  	[smem:$0x3FBA] =	sst s10  }
0x35: {  	s10 =	sld [smem:$0x3FB9];
	_ =	sdelay $0x3  }
0x36: {  	p1 =	seq.s32 s10, $0x1;
	s10 =	sld [smem:$0x3FBA];
	_ =	sdelay $0x3  }
0x37: {  	[smem:$0x3FBA] =	sst s10  }
0x38: {  	s10 =	sld [smem:$0x3FBB]  }
0x39: {  	_ = 	snop;
	(pc) =	sbr.ind lr, $3  }
0x3a: {  	_ = 	snop  }
0x3b: {  	_ = 	snop  }
0x3c: {  	p2 =	seq.s32 s10, $0x1;
	s10 =	sld [smem:$0x3FBA]  }
0x3d: {  	_ =	shalt  }
0x3e: {  	_ =	shalt  }
0x3f: {  	_ =	shalt  }
0x40: {  	_ =	shalt  }
0x41: {  	_ =	shalt  }
0x42: {  	_ =	shalt  }
0x43: {  	_ =	shalt  }
0x44: {  	_ =	shalt  }
0x45: {  	_ =	shalt  }
0x46: {  	_ =	shalt  }
0x47: {  	_ =	shalt  }
0x48: {  	_ =	shalt  }
0x49: {  	_ =	shalt  }
0x4a: {  	_ =	shalt  }
0x4b: {  	_ =	shalt  }
0x4c: {  	_ =	shalt  }
0x4d: {  	_ =	shalt  }
0x4e: {  	_ =	shalt  }
0x4f: {  	_ =	shalt  }
0x50: {  	_ =	shalt  }
0x51: {  	_ =	shalt  }
0x52: {  	_ =	shalt  }
0x53: {  	_ =	shalt  }
0x54: {  	_ =	shalt  }
0x55: {  	_ =	shalt  }
0x56: {  	_ =	shalt  }
0x57: {  	_ =	shalt  }
0x58: {  	_ =	shalt  }
0x59: {  	_ =	shalt  }
0x5a: {  	_ =	shalt  }
0x5b: {  	_ =	shalt  }
0x5c: {  	_ =	shalt  }
0x5d: {  	_ =	shalt  }
0x5e: {  	_ =	shalt  }
0x5f: {  	_ =	shalt  }
0x60: {  	_ =	shalt  }
0x61: {  	_ =	shalt  }
0x62: {  	_ =	shalt  }
0x63: {  	_ =	shalt  }
0x64: {  	_ =	shalt  }
0x65: {  	_ =	shalt  }
0x66: {  	_ =	shalt  }
0x67: {  	_ =	shalt  }
0x68: {  	_ =	shalt  }
0x69: {  	_ =	shalt  }
0x6a: {  	_ =	shalt  }
0x6b: {  	_ =	shalt  }
0x6c: {  	_ =	shalt  }
0x6d: {  	_ =	shalt  }
0x6e: {  	_ =	shalt  }
0x6f: {  	_ =	shalt  }
0x70: {  	_ =	shalt  }
0x71: {  	_ =	shalt  }
0x72: {  	_ =	shalt  }
0x73: {  	_ =	shalt  }
0x74: {  	_ =	shalt  }
0x75: {  	_ =	shalt  }
0x76: {  	_ =	shalt  }
0x77: {  	_ =	shalt  }
0x78: {  	_ =	shalt  }
0x79: {  	_ =	shalt  }
0x7a: {  	_ =	shalt  }
0x7b: {  	_ =	shalt  }
0x7c: {  	_ =	shalt  }
0x7d: {  	_ =	shalt  }
0x7e: {  	_ =	shalt  }
0x7f: {  	_ =	shalt  }
0x80: {  	_ =	shalt  }
0x81: {  	_ =	shalt  }
0x82: {  	_ =	shalt  }
0x83: {  	_ =	shalt  }
0x84: {  	_ =	shalt  }
0x85: {  	_ =	shalt  }
0x86: {  	_ =	shalt  }
0x87: {  	_ =	shalt  }
.Lfunc_end0:
.L_simem_size_0:
called_computation_lowered:
.L_overlay_start_0:
0x88: {  	s2 =	sld [smem:$0x3FD9]  }
0x89: {  	s3 =	sld [smem:$0x3FFE];
	_ =	sdelay $0x1  }
0x8a: {  	s1 =	srdreg.scid  }
0x8b: {  	s0 =	sand.u32 $0x1, s1  }
0x8c: {  	s18 =	sshll.u32 s0, $0xA;
	s2 =	sadd.s32 s3, s2  }
0x8d: {  	s2 =	sadd.s32 s2, s18  }
0x8e: {  	[smem:$0x3FC6] =	sst s2  }
0x8f: {  	_ = 	snop  }
0x90: {  	s2 =	sld [smem:$0x3FC9]  }
0x91: {  	s19 =	sld [smem:$0x3FD0];
	(tm) =	ssettm $0x1  }
0x92: {  	s4 =	sld [smem:$0x3FFB];
	_ =	sdelay $0x3  }
0x93: {  	_ =	strace s4  }
0x94: {  	s4 =	sld [smem:$0x3FFC];
	_ =	sdelay $0x3  }
0x95: {  	_ =	strace s4  }
0x96: {  	s4 =	sld [smem:$0x3FFD];
	_ =	sdelay $0x3  }
0x97: {  	_ =	strace s4  }
0x98: {  	_ =	strace $0x8FFFFFFF  }
0x99: {  	s20 =	sld [smem:$0x3FDB];
	_ =	sdelay $0x1  }
0x9a: {  	s5 =	simm.s32 $_scs_section_size  }
0x9b: {  	s6 =	simm.s32 $_size__tile_overlayer_lowered;
	s7 =	simm.s32 $_tile_overlayer_lowered  }
0x9c: {  	s23 =	simm.s32 $0x1BFF;
	s22 =	sshll.u32 s7, $0x1;
	s4 =	sadd.s32 s5, s20  }
0x9d: {  	s8 =	simm.s32 $0x0;
	s21 =	sshll.u32 s6, $0x1;
	s6 =	sadd.s32 s22, s4  }
0x9e: {  	[timem:s8], [sflag:s23] =	dma.local [hbm:s6], s21  }
0x9f: {  	_ =	swait.ge [sflag:s23], s21  }
0xa0: {  	s5 =	ssub.s32 $0x0, s21;
	[sflag:s23] =	ssyncset.done $0x0  }
0xa1: {  	[sflag:s23] =	ssyncadd.s32 s5;
	_ =	sdelay $0x1  }
0xa2: {  	s24 =	simm.s32 $0x1B8B  }
0xa3: {  	_ =	swait.ge [sflag:s24], $0x1  }
0xa4: {  	[sflag:s24] =	ssyncset.done $0x0  }
0xa5: {  	s25 =	simm.s32 $0x1B8E;
	[sflag:s24] =	ssyncadd.s32 $0xFFFFFFFF  }
0xa6: {  	s26 =	simm.s32 $execute0_lowered;
	[smem:$0x3FD2] =	sst s25  }
0xa7: {  	s5 =	sshll.u32 s26, $0x1;
	_ =	strace $0x80000046;
	[dreg:$0x1] =	wrdreg $0xFFFFFFFF  }
0xa8: {  	s28 =	simm.s32 $_size_execute0_lowered;
	s4 =	sadd.s32 s4, s5;
	[dreg:$0x0] =	wrdreg $0x0  }
0xa9: {  	s5 =	sshll.u32 s28, $0x1;
	[dreg:$0x2] =	wrdreg s4  }
0xaa: {  	[dreg:$0x3] =	wrdreg s5  }
0xab: {  	[dreg:$0x4] =	wrdreg $0xC0  }
0xac: {  	_ =	task [dreg:s8], $0x5FFFF  }
0xad: {  	[dreg:$0x1] =	wrdreg $0xFFFFFFFF  }
0xae: {  	[dreg:$0x0] =	wrdreg $0x60  }
0xaf: {  	[dreg:$0x2] =	wrdreg s2  }
0xb0: {  	[dreg:$0x3] =	wrdreg s19  }
0xb1: {  	[dreg:$0x4] =	wrdreg $0x0  }
0xb2: {  	[dreg:$0x5] =	wrdreg $0x9  }
0xb3: {  	_ =	task.clear_ibuf [dreg:s8], $0x6FFFF;
	_ =	strace $0x90000046  }
0xb4: {  	s29 =	simm.s32 $0x9;
	_ =	strace $0x80000048  }
0xb5: {  	_ =	swait.ge [sflag:s29], $0x1  }
0xb6: {  	[sflag:s29] =	ssyncadd.s32 $0xFFFFFFFF  }
0xb7: {  	_ =	strace $0x90000048  }
0xb8: {  	_ =	sfence  }
0xb9: {  	s30 =	sld [smem:$0x0];
	_ =	sdelay $0x2  }
0xba: {  	s31 =	sshll.u32 s1, $0xD;
	s1 =	sshrl.u32 s1, $0x2  }
0xbb: {  	s3 =	sand.u32 $0x4000, s31;
	s1 =	sadd.s32 s1, s30  }
0xbc: {  	s0 =	sor.u32 s3, s0;
	s1 =	sshll.u32 s1, $0x11  }
0xbd: {  	s0 =	sor.u32 s1, s0  }
0xbe: {  	s0 =	sadd.s32 $0x8F2B, s0  }
0xbf: {  	[sflag:s0] =	ssyncadd.remote.s32 $0x1  }
0xc0: {  	_ =	sfence.sel $0xFFFF  }
0xc1: {  	[dreg:$0x0] =	wrdreg $0xFFFFFFFF;
	(pc) =	sbr.abs _section_cstart, $3  }
0xc2: {  	[dreg:$0x1] =	wrdreg $0xFFFFFFFF  }
0xc3: {  	_ =	task.clear_ibuf [dreg:s8], $0x2FFFF;
	_ =	strace $0x9FFFFFFF  }
0xc4: {  	(tm) =	ssettm $0x7FFFFFFF  }
0xc5: {  	_ =	shalt  }
tec
execute0_lowered:
.L_overlay_start_1:
0x0: {  	(tag) =	ssettag $0x1  }
0x1: {  	s1 =	rddreg [dreg:$0x0]  }
0x2: {  	s11 =	rddreg [dreg:$0x1]  }
0x3: {  	s3 =	rddreg [dreg:$0x2]  }
0x4: {  	s4 =	srdreg.scid;
	s2 =	stileid.u32  }
0x5: {  	s0 =	rddreg [dreg:$0x3];
	s5 =	smul.u32 $0x186A0, s2  }
0x6: {  	s15 =	simm.s32 $0x50;
	s16 =	simm.s32 $0x0;
	s10 =	smul.u32 $0x5DC0, s2  }
0x7: {  	s7 =	sand.u32 $0x1, s4;
	s4 =	simm.s32 $0x0;
	s13 =	smul.u32 $0x1770, s2  }
0x8: {  	p0 =	slt.u32 s2, $0xC;
	s6 =	ssub.s32 $0x2, s7;
	s14 =	smul.u32 $0x61A8, s7  }
0x9: {  	[smem:$0x7FF] =	sst s4;
	s12 =	smul.u32 $0x124F80, s7;
	s7 =	simm.s32 $0xD  }
0xa: {  	s8 =	sshrl.u32 s6, $0x1;
	_ =	strace $0x80000047;
	s31 =	sshrl.u32 s5, $0x3  }
0xb: {  	s7 =	simm.s32 @!p0 $0xC;
	p0 =	slt.u32 s2, $0x8;
	s10 =	sshrl.u32 s10, $0x2  }
0xc: {  	s9 =	ssub.s32 s6, s8;
	s6 =	simm.s32 $0xD;
	s8 =	sadd.s32 s1, s31  }
0xd: {  	s12 =	sadd.s32 s13, s12;
	s10 =	sadd.s32 s10, s3;
	s13 =	simm.s32 $0x5  }
0xe: {  	v0 =	vmov s14;
	s14 =	simm.s32 $0x1C0D8;
	s6 =	simm.s32 @!p0 $0xC;
	s12 =	sshrl.u32 s12, $0x3  }
0xf: {  	v1 =	vimm.f32 $0.0e+00;
	v2 =	vlaneseq.u32;
	s9 =	smax.u32 s9, $0x1;
	s11 =	sadd.s32 s12, s11;
	s12 =	simm.s32 $0x1C3F8  }
.LBB2_1:
0x10: {  	s17 =	simm.s32 $0xC0;
	s18 =	simm.s32 $0x0  }
.LBB2_2:
0x11: {  	p0 =	sne.s32 s17, $0x5D00;
	[tilespmem:s18+$0x1C418] =	vst v1;
	s19 =	smov.u32 s17;
	s17 =	sadd.s32 $0xC0, s17  }
.Ltmp0:
0x12: {  	[tilespmem:s18+$0x1C3F8] =	vst v1;
	(pc) =	sbr.rel @p0 .LBB2_2-.Ltmp0, $2  }
0x13: {  	[tilespmem:s18+$0x1C408] =	vst v1;
	_ =	sdelay $0x2  }
0x14: {  	s18 =	sshra.s32 s19, $0x2  }
0x15: {  	[tilespmem:s18+$0x1C418] =	vst v1;
	p0 =	sne.s32 s7, $0x1  }
.Ltmp1:
0x16: {  	[tilespmem:s18+$0x1C3F8] =	vst v1;
	(pc) =	sbr.rel @!p0 .LBB2_5-.Ltmp1, $4  }
0x17: {  	[tilespmem:s18+$0x1C408] =	vst v1  }
0x18: {  	[spmem:s10] =	stream.linear.scatter [tilespmem:s12], [sflag:$0x5], $0x1770, $0x38;
	[tilespmem:$0x1DB68] =	vst v63  }
0x19: {  	_ =	swait.ge [sflag:s13], $0x1770  }
0x1a: {  	s17 =	sadd.s32 $0xFFFFFFFF, s7;
	s18 =	smov.u32 s10;
	[sflag:s13] =	ssyncset.done $0x0  }
.LBB2_4:
0x1b: {  	p0 =	sne.s32 s17, $0x1;
	[sflag:s13] =	ssyncadd.s32 $0xFFFFE890;
	s18 =	sadd.s32 $0x17700, s18  }
.Ltmp2:
0x1c: {  	s17 =	sadd.s32 $0xFFFFFFFF, s17;
	(pc) =	sbr.rel @p0 .LBB2_4-.Ltmp2, $4  }
0x1d: {  	_ = 	snop  }
0x1e: {  	[spmem:s18] =	stream.linear.scatter [tilespmem:s12], [sflag:$0x5], $0x1770, $0x38;
	[tilespmem:$0x1DB68] =	vst v63  }
0x1f: {  	_ =	swait.ge [sflag:s13], $0x1770  }
0x20: {  	[sflag:s13] =	ssyncset.done $0x0  }
.LBB2_5:
0x21: {  	[sflag:s13] =	ssyncadd.s32 $0xFFFFE890  }
0x22: {  	s17 =	simm.s32 $0x0;
	p0 =	por $0x0, $0x0;
	[bflag:$0x0] =	sbarrier.arrive $0xFFFF  }
0x23: {  	[tilespmem:s14], [sflag:$0x1] =	stream.linear.gather [hbm4b:s8+s17], $0x190, $0x38;
	[tilespmem:$0x1DB68] =	vst v63  }
.LBB2_6:
0x24: {  	s18 =	sand.u32 $0x1, s17;
	p1 =	seq.s32 s17, $0xF9;
	s17 =	sadd.s32 $0x1, s17  }
0x25: {  	s22 =	simm.s32 $0x1;
	s19 =	sxor.u32 @!p1 $0x1, s18;
	s21 =	smul.u32 @!p1 $0x190, s17  }
0x26: {  	s22 =	simm.s32 @!p0 $0x0;
	s20 =	smul.u32 @!p1 $0x640, s19  }
0x27: {  	s23 =	simm.s32 @!p1 $0x0;
	s29 =	sadd.s32 $0x1, s18;
	s21 =	sadd.s32 @!p1 s5, s21  }
0x28: {  	s22 =	smul.u32 $0x640, s22;
	s20 =	sshrl.u32 @!p1 s20, $0x2;
	s21 =	sshrl.u32 @!p1 s21, $0x3  }
0x29: {  	s19 =	sadd.s32 @!p1 $0x1, s19;
	s20 =	sadd.s32 @!p1 $0x1C0D8, s20;
	s21 =	sadd.s32 @!p1 s1, s21  }
0x2a: {  	[tilespmem:s20], [sflag:s19] =	stream.linear.gather @!p1 [hbm4b:s21+s23], $0x190, $0x38;
	[tilespmem:$0x1DB68] =	vst v63  }
0x2b: {  	s30 =	smul.u32 $0x640, s18;
	_ =	swait.ge [sflag:s29], $0x190  }
0x2c: {  	s31 =	sshrl.u32 s22, $0x2;
	[sflag:s29] =	ssyncset.done $0x0  }
0x2d: {  	s19 =	sshrl.u32 s30, $0x2;
	s21 =	sadd.s32 $0x1C0D8, s31;
	[sflag:s29] =	ssyncadd.s32 $0xFFFFFE70  }
0x2e: {  	s22 =	simm.s32 $0x10;
	s23 =	simm.s32 $0x0;
	s20 =	sadd.s32 $0x1C0D8, s19;
	v3 =	vld [tilespmem:s21+$0x0]  }
.LBB2_7:
0x2f: {  	p1 =	seq.s32 s22, $0x180;
	_ =	sdelay $0x2  }
0x30: {  	v4 =	vor.u32 s23, v2;
	s23 =	smov.u32 s22  }
.Ltmp3:
0x31: {  	v4 =	vand.u32 $0xFF, v4;
	v3 =	vsub.s32 v3, v0;
	(pc) =	sbr.rel @!p1 .LBB2_7-.Ltmp3, $4  }
0x32: {  	v4 =	vadd.s32 $0x61A8, v4;
	vm0 =	vlt.u32 v3, $0x61A8  }
0x33: {  	v3 =	vsel vm0, v3, v4  }
0x34: {  	[tilespmem:s21+$0x0] =	vst v3;
	s21 =	sadd.s32 $0x10, s21  }
0x35: {  	s22 =	sadd.s32 $0x10, s22;
	v3 =	vld [tilespmem:s21+$0x0]  }
0x36: {  	_ =	sdelay $0x2  }
0x37: {  	v4 =	vor.u32 s23, v2  }
0x38: {  	v4 =	vand.u32 $0xFF, v4;
	v3 =	vsub.s32 v3, v0  }
0x39: {  	s22 =	smul.u32 $0x12C00, s18;
	v4 =	vadd.s32 $0x61A8, v4;
	vm0 =	vlt.u32 v3, $0x61A8  }
0x3a: {  	v3 =	vsel vm0, v3, v4  }
0x3b: {  	[tilespmem:s21+$0x0] =	vst v3;
	s21 =	sshrl.u32 s22, $0x2  }
0x3c: {  	s18 =	sadd.s32 $0x3, s18;
	s22 =	sadd.s32 $0x12AD8, s21  }
0x3d: {  	[spmem:s3] =	stream.indirect.scatter.add.f32 [tilespmem:s22], [sflag:s18], $0x30, s20, s15, $0xb8;
	[tilespmem:$0x1DB68] =	vst v63  }
0x3e: {  	s24 =	sadd.s32 $0x1C128, s19;
	s23 =	sadd.s32 $0x139D8, s21  }
0x3f: {  	[spmem:s3] =	stream.indirect.scatter.add.f32 [tilespmem:s23], [sflag:s18], $0x30, s24, s15, $0xb8;
	[tilespmem:$0x1DB68] =	vst v63  }
0x40: {  	s26 =	sadd.s32 $0x1C178, s19;
	s25 =	sadd.s32 $0x148D8, s21  }
0x41: {  	[spmem:s3] =	stream.indirect.scatter.add.f32 [tilespmem:s25], [sflag:s18], $0x30, s26, s15, $0xb8;
	[tilespmem:$0x1DB68] =	vst v63  }
0x42: {  	s29 =	sadd.s32 $0x1C1C8, s19;
	s28 =	sadd.s32 $0x157D8, s21  }
0x43: {  	[spmem:s3] =	stream.indirect.scatter.add.f32 [tilespmem:s28], [sflag:s18], $0x30, s29, s15, $0xb8;
	[tilespmem:$0x1DB68] =	vst v63  }
0x44: {  	s31 =	sadd.s32 $0x1C218, s19;
	s30 =	sadd.s32 $0x166D8, s21  }
0x45: {  	[spmem:s3] =	stream.indirect.scatter.add.f32 [tilespmem:s30], [sflag:s18], $0x30, s31, s15, $0xb8;
	[tilespmem:$0x1DB68] =	vst v63  }
0x46: {  	_ =	swait.ge [sflag:s18], $0xF00  }
0x47: {  	[sflag:s18] =	ssyncset.done $0x0  }
0x48: {  	[sflag:s18] =	ssyncadd.s32 $0xFFFFF100  }
0x49: {  	_ =	swait.ge [sflag:s18], $0xF00  }
0x4a: {  	[sflag:s18] =	ssyncset.done $0x0  }
0x4b: {  	[sflag:s18] =	ssyncadd.s32 $0xFFFFF100  }
0x4c: {  	_ =	swait.ge [sflag:s18], $0xF00  }
0x4d: {  	[sflag:s18] =	ssyncset.done $0x0  }
0x4e: {  	[sflag:s18] =	ssyncadd.s32 $0xFFFFF100  }
0x4f: {  	p1 =	seq.s32 s17, $0xFA;
	_ =	swait.ge [sflag:s18], $0xF00  }
.Ltmp4:
0x50: {  	[sflag:s18] =	ssyncset.done $0x0;
	(pc) =	sbr.rel @!p1 .LBB2_6-.Ltmp4, $4  }
0x51: {  	[sflag:s18] =	ssyncadd.s32 $0xFFFFF100  }
0x52: {  	_ =	swait.ge [sflag:s18], $0xF00  }
0x53: {  	[sflag:s18] =	ssyncset.done $0x0  }
0x54: {  	p0 =	por !p0, !p0;
	[sflag:s18] =	ssyncadd.s32 $0xFFFFF100  }
0x55: {  	[bflag:$0x0] =	sbarrier.arrive $0xFFFF  }
0x56: {  	[tilespmem:s12], [sflag:$0x5] =	stream.linear.gather [spmem:s10], $0x1770, $0x38;
	[tilespmem:$0x1DB68] =	vst v63  }
0x57: {  	p0 =	sne.s32 s6, $0x1;
	_ =	swait.ge [sflag:s13], $0x1770  }
.Ltmp5:
0x58: {  	[sflag:s13] =	ssyncset.done $0x0;
	(pc) =	sbr.rel @!p0 .LBB2_11-.Ltmp5, $4  }
0x59: {  	[sflag:s13] =	ssyncadd.s32 $0xFFFFE890  }
0x5a: {  	[hbm4b:s11+s4] =	stream.linear.scatter [tilespmem:s12], [sflag:$0x5], $0x1770, $0x38;
	[tilespmem:$0x1DB68] =	vst v63  }
0x5b: {  	s17 =	sadd.s32 $0xFFFFFFFF, s6;
	_ =	swait.ge [sflag:s13], $0x1770  }
0x5c: {  	s18 =	smov.u32 s11;
	s19 =	smov.u32 s10;
	[sflag:s13] =	ssyncset.done $0x0  }
.LBB2_10:
0x5d: {  	[sflag:s13] =	ssyncadd.s32 $0xFFFFE890;
	s18 =	sadd.s32 $0x2EE0, s18;
	s19 =	sadd.s32 $0x17700, s19  }
0x5e: {  	[tilespmem:s12], [sflag:$0x5] =	stream.linear.gather [spmem:s19], $0x1770, $0x38;
	[tilespmem:$0x1DB68] =	vst v63  }
0x5f: {  	p0 =	sne.s32 s17, $0x1;
	s17 =	sadd.s32 $0xFFFFFFFF, s17;
	_ =	swait.ge [sflag:s13], $0x1770  }
.Ltmp6:
0x60: {  	[sflag:s13] =	ssyncset.done $0x0;
	(pc) =	sbr.rel @p0 .LBB2_10-.Ltmp6, $4  }
0x61: {  	[sflag:s13] =	ssyncadd.s32 $0xFFFFE890  }
0x62: {  	[hbm4b:s18+s4] =	stream.linear.scatter [tilespmem:s12], [sflag:$0x5], $0x1770, $0x38;
	[tilespmem:$0x1DB68] =	vst v63  }
0x63: {  	_ =	swait.ge [sflag:s13], $0x1770  }
0x64: {  	[sflag:s13] =	ssyncset.done $0x0  }
.LBB2_11:
0x65: {  	s16 =	sadd.s32 $0x1, s16  }
0x66: {  	p0 =	sne.s32 s16, s9  }
.Ltmp7:
0x67: {  	_ = 	snop;
	(pc) =	sbr.rel @p0 .LBB2_1-.Ltmp7, $2  }
0x68: {  	_ =	sdelay $0x2  }
0x69: {  	[sflag:s13] =	ssyncadd.s32 $0xFFFFE890  }
0x6a: {  	_ =	sfence.sel $0x180000  }
0x6b: {  	[bflag:$0x0] =	sbarrier.arrive $0xFFFF  }
0x6c: {  	p0 =	sne.s32 s2, $0x0;
	_ =	strace $0x90000047  }
0x6d: {  	s0 =	sadd.s32 @!p0 $0x100000, s0;
	[bflag:$0x2] =	sbarrier.arrive $0xFFFF  }
0x6e: {  	[sflag:s0] =	ssyncadd.tile.s32 @!p0 $0x1;
	_ =	shalt  }
.Lfunc_end2:
_tile_overlayer_lowered:
.L_overlay_start_2:
0x6f: {  	(tag) =	ssettag $0x2  }
0x70: {  	s0 =	rddreg [dreg:$0x0];
	s2 =	stileid.u32  }
0x71: {  	s1 =	rddreg [dreg:$0x1];
	p0 =	sne.s32 s2, $0x0  }
0x72: {  	s3 =	rddreg [dreg:$0x2];
	[bflag:$0x3] =	sbarrier.arrive $0xFFFF;
	s2 =	simm.s32 @!p0 $0x1C05  }
0x73: {  	[timem:s3], [sflag:s2] =	dma.local @!p0 [hbm:s0], s1  }
0x74: {  	s0 =	simm.s32 @!p0 $0x5  }
0x75: {  	_ =	swait.ge @!p0 [sflag:s0], s1  }
0x76: {  	s1 =	ssub.s32 @!p0 $0x0, s1;
	[sflag:s0] =	ssyncset.done @!p0 $0x0  }
0x77: {  	[sflag:s0] =	ssyncadd.s32 @!p0 s1  }
0x78: {  	[bflag:$0x3] =	sbarrier.arrive $0xFFFF  }
0x79: {  	_ =	shalt  }

</sc_bundles>
